<compile_context>
chip_gen: v7x
topology: tpu7x:2x2x1
jax: 0.10.2.dev20260603
libtpu: 0.0.44.dev20260713+nightly
codegen_flags: <defaults>
</compile_context>

<pallas_src>
import functools

import jax
import jax.numpy as jnp
from jax import lax
from jax.experimental import pallas as pl
from jax.experimental.pallas import tpu as pltpu
from jax.experimental.pallas import tpu_sc as plsc

VOCAB = 100000
BOTTLENECK = 128
D_MODEL = 1024
BATCH = 4
SEQ = 2048
N_TOKENS = BATCH * SEQ

NUM_CORES = 2
NUM_SUBCORES = 16
NW = NUM_CORES * NUM_SUBCORES
B_PER_W = N_TOKENS // NW
W_PER_ROW = SEQ // B_PER_W
CHUNK = 128
NCHUNK = B_PER_W // CHUNK

_sc_mesh = plsc.VectorSubcoreMesh(core_axis_name="c", subcore_axis_name="s")


@functools.partial(
    pl.kernel,
    mesh=_sc_mesh,
    out_type=jax.ShapeDtypeStruct((N_TOKENS, BOTTLENECK), jnp.float32),
    scratch_types=[
        pltpu.VMEM((B_PER_W,), jnp.int32),
        pltpu.VMEM((B_PER_W, BOTTLENECK), jnp.float32),
    ]
    + [pltpu.SemaphoreType.DMA] * NCHUNK
    + [pltpu.SemaphoreType.DMA],
)
def _sc_gather(table_hbm, idx_hbm, out_hbm, idx_v, rows_v, *sems):
    gsems, wsem = sems[:NCHUNK], sems[NCHUNK]
    wid = lax.axis_index("s") * NUM_CORES + lax.axis_index("c")
    row = wid // W_PER_ROW
    col = (wid % W_PER_ROW) * B_PER_W
    base = wid * B_PER_W
    pltpu.sync_copy(idx_hbm.at[row, pl.ds(col, B_PER_W)], idx_v)
    gathers = []
    for j in range(NCHUNK):
        gathers.append(
            pltpu.async_copy(
                table_hbm.at[idx_v.at[pl.ds(j * CHUNK, CHUNK)]],
                rows_v.at[pl.ds(j * CHUNK, CHUNK)],
                gsems[j],
            )
        )
    writebacks = []
    for j in range(NCHUNK):
        gathers[j].wait()
        writebacks.append(
            pltpu.async_copy(
                rows_v.at[pl.ds(j * CHUNK, CHUNK)],
                out_hbm.at[pl.ds(base + j * CHUNK, CHUNK)],
                wsem,
            )
        )
    for wb in writebacks:
        wb.wait()


def _mm_body(low_ref, w_ref, out_ref):
    out_ref[...] = jnp.dot(
        low_ref[...], w_ref[...], preferred_element_type=jnp.float32
    )


ROW_TILE = 2048


@jax.jit
def kernel(x, embed_table, W):
    idx = x.astype(jnp.int32)
    low = _sc_gather(embed_table, idx)
    out = pl.pallas_call(
        _mm_body,
        grid=(N_TOKENS // ROW_TILE,),
        in_specs=[
            pl.BlockSpec((ROW_TILE, BOTTLENECK), lambda i: (i, 0)),
            pl.BlockSpec((BOTTLENECK, D_MODEL), lambda i: (0, 0)),
        ],
        out_specs=pl.BlockSpec((ROW_TILE, D_MODEL), lambda i: (i, 0)),
        out_shape=jax.ShapeDtypeStruct((N_TOKENS, D_MODEL), jnp.float32),
    )(low, W)
    return out.reshape(x.shape[0], x.shape[1], D_MODEL)

# --- scband reference (transcript-rebuilt; emitter-appended) ---
"""Pipeline reference for scband-factorized-embedding-13271448945175 (READ-ONLY COPY).

The authoritative reference and input builder live on the scoring server;
editing this copy changes nothing except your own understanding.
"""

import jax, jax.numpy as jnp
import numpy as np

VOCAB = 100000
D_MODEL = 1024
BOTTLENECK = 128
BATCH = 4
SEQ = 2048

def setup_inputs(seed: int = 0) -> dict:
    key = jax.random.key(seed)
    k1, k2, k3 = jax.random.split(key, 3)
    x = jax.random.randint(k1, (BATCH, SEQ), 0, VOCAB, dtype=jnp.int64 if jax.config.jax_enable_x64 else jnp.int32)
    # Keras Embedding default init: uniform(-0.05, 0.05)
    embed_table = jax.random.uniform(k2, (VOCAB, BOTTLENECK), dtype=jnp.float32, minval=-0.05, maxval=0.05)
    # Keras Dense default init: glorot_uniform
    limit = float(np.sqrt(6.0 / (BOTTLENECK + D_MODEL)))
    W = jax.random.uniform(k3, (BOTTLENECK, D_MODEL), dtype=jnp.float32, minval=-limit, maxval=limit)
    return {"x": x, "embed_table": embed_table, "W": W}

def reference(x, embed_table, W):
    # Factorized embedding: gather into bottleneck space, then project up.
    low = jnp.take(embed_table, x, axis=0)          # [B, S, bottleneck]
    out = jnp.einsum('bsd,de->bse', low, W)          # [B, S, d_model]
    return out

if __name__ == "__main__":
    import jax
    _d = setup_inputs()
    print(jax.jit(kernel)(*tuple(_d.values())))

</pallas_src>

<mosaic_0001>
#map = affine_map<(d0, d1) -> (0, 0)>
module attributes {stable_mosaic.version = 14 : i64} {
  func.func @_sc_gather(%arg0: i32, %arg1: i32, %arg2: memref<100000x128xf32, #tpu.memory_space<hbm>>, %arg3: memref<4x2048xi32, #tpu.memory_space<hbm>>, %arg4: memref<8192x128xf32, #tpu.memory_space<hbm>>, %arg5: memref<256xi32, #tpu.memory_space<vmem>>, %arg6: memref<256x128xf32, #tpu.memory_space<vmem>>, %arg7: memref<!tpu.dma_semaphore, #tpu.memory_space<semaphore_mem>>, %arg8: memref<!tpu.dma_semaphore, #tpu.memory_space<semaphore_mem>>, %arg9: memref<!tpu.dma_semaphore, #tpu.memory_space<semaphore_mem>>) attributes {dimension_semantics = [#tpu.dimension_semantics<core_parallel>, #tpu.dimension_semantics<subcore_parallel>], iteration_bounds = array<i64: 2, 16>, scalar_prefetch = 0 : i64, scratch_operands = 5 : i64, tpu.core_type = #tpu.core_type<sc_vector_subcore>, window_params = [{transform_indices = #map}, {transform_indices = #map}, {transform_indices = #map}]} {
    %mul3A = arith.constant 2 : i32
    %mul3A_0 = arith.muli %arg1, %mul3A : i32
    %add3A = arith.addi %mul3A_0, %arg0 : i32
    %jit3A = arith.constant 8 : i32
    %div3A = arith.divsi %add3A, %jit3A : i32
    %sign3A = arith.constant 0 : i32
    %sign3A_1 = arith.cmpi sgt, %add3A, %sign3A : i32
    %sign3A_2 = arith.extui %sign3A_1 : i1 to i32
    %sign3A_3 = arith.constant 0 : i32
    %sign3A_4 = arith.cmpi slt, %add3A, %sign3A_3 : i32
    %sign3A_5 = arith.extui %sign3A_4 : i1 to i32
    %sign3A_6 = arith.subi %sign3A_2, %sign3A_5 : i32
    %sign3A_7 = arith.constant 0 : i32
    %sign3A_8 = arith.cmpi sgt, %jit3A, %sign3A_7 : i32
    %sign3A_9 = arith.extui %sign3A_8 : i1 to i32
    %sign3A_10 = arith.constant 0 : i32
    %sign3A_11 = arith.cmpi slt, %jit3A, %sign3A_10 : i32
    %sign3A_12 = arith.extui %sign3A_11 : i1 to i32
    %sign3A_13 = arith.subi %sign3A_9, %sign3A_12 : i32
    %ne3A = arith.cmpi ne, %sign3A_6, %sign3A_13 : i32
    %rem3A = arith.remsi %add3A, %jit3A : i32
    %ne3A_14 = arith.constant 0 : i32
    %ne3A_15 = arith.cmpi ne, %rem3A, %ne3A_14 : i32
    %and3A = arith.andi %ne3A, %ne3A_15 : i1
    %sub3A = arith.constant 1 : i32
    %sub3A_16 = arith.subi %div3A, %sub3A : i32
    %select_n3A = arith.select %and3A, %sub3A_16, %div3A : i32
    %jit3A_17 = arith.constant 8 : i32
    %eq3A = arith.constant 0 : i32
    %eq3A_18 = arith.cmpi eq, %jit3A_17, %eq3A : i32
    %jit3A_19 = arith.constant 1 : i32
    %select_n3A_20 = arith.select %eq3A_18, %jit3A_19, %jit3A_17 : i32
    %rem3A_21 = arith.remsi %add3A, %select_n3A_20 : i32
    %ne3A_22 = arith.constant 0 : i32
    %ne3A_23 = arith.cmpi ne, %rem3A_21, %ne3A_22 : i32
    %lt3A = arith.constant 0 : i32
    %lt3A_24 = arith.cmpi slt, %rem3A_21, %lt3A : i32
    %lt3A_25 = arith.constant 0 : i32
    %lt3A_26 = arith.cmpi slt, %select_n3A_20, %lt3A_25 : i32
    %ne3A_27 = arith.xori %lt3A_24, %lt3A_26 : i1
    %and3A_28 = arith.andi %ne3A_27, %ne3A_23 : i1
    %add3A_29 = arith.addi %rem3A_21, %select_n3A_20 : i32
    %select_n3A_30 = arith.select %and3A_28, %add3A_29, %rem3A_21 : i32
    %mul3A_31 = arith.constant 256 : i32
    %mul3A_32 = arith.muli %select_n3A_30, %mul3A_31 : i32
    %mul3A_33 = arith.constant 256 : i32
    %mul3A_34 = arith.muli %add3A, %mul3A_33 : i32
    "tpu.region"() ({
      %run_scoped3A = tpu.sem_alloc : memref<!tpu.dma_semaphore, #tpu.memory_space<semaphore_mem>>
      %dma_start3A_109 = tpu.memref_slice %arg3[%select_n3A, %mul3A_32] : memref<4x2048xi32, #tpu.memory_space<hbm>> -> memref<1x256xi32, #tpu.memory_space<hbm>>
      %dma_start3A_110 = tpu.memref_squeeze %dma_start3A_109 : memref<1x256xi32, #tpu.memory_space<hbm>> -> memref<256xi32, #tpu.memory_space<hbm>>
      %dma_start3A_111 = tpu.memref_slice %arg3[%select_n3A, %mul3A_32] : memref<4x2048xi32, #tpu.memory_space<hbm>> -> memref<1x256xi32, #tpu.memory_space<hbm>>
      %dma_start3A_112 = tpu.memref_squeeze %dma_start3A_111 : memref<1x256xi32, #tpu.memory_space<hbm>> -> memref<256xi32, #tpu.memory_space<hbm>>
      tpu.enqueue_dma source(%dma_start3A_112 : memref<256xi32, #tpu.memory_space<hbm>>) target(%arg5 : memref<256xi32, #tpu.memory_space<vmem>>) target_semaphore(%run_scoped3A : memref<!tpu.dma_semaphore, #tpu.memory_space<semaphore_mem>>)
      %dma_wait3A_113 = tpu.memref_slice %arg3[%select_n3A, %mul3A_32] : memref<4x2048xi32, #tpu.memory_space<hbm>> -> memref<1x256xi32, #tpu.memory_space<hbm>>
      %dma_wait3A_114 = tpu.memref_squeeze %dma_wait3A_113 : memref<1x256xi32, #tpu.memory_space<hbm>> -> memref<256xi32, #tpu.memory_space<hbm>>
      %dma_wait3A_115 = tpu.memref_slice %arg3[%select_n3A, %mul3A_32] : memref<4x2048xi32, #tpu.memory_space<hbm>> -> memref<1x256xi32, #tpu.memory_space<hbm>>
      %dma_wait3A_116 = tpu.memref_squeeze %dma_wait3A_115 : memref<1x256xi32, #tpu.memory_space<hbm>> -> memref<256xi32, #tpu.memory_space<hbm>>
      tpu.wait_dma2 semaphore(%run_scoped3A : memref<!tpu.dma_semaphore, #tpu.memory_space<semaphore_mem>>) src(%dma_wait3A_116 : memref<256xi32, #tpu.memory_space<hbm>>) dst(%arg5 : memref<256xi32, #tpu.memory_space<vmem>>)
      tpu.yield
    }) : () -> ()
    %dma_start3A = arith.constant 0 : i32
    %dma_start3A_35 = arith.constant 0 : i32
    %dma_start3A_36 = tpu.memref_slice %arg6[%dma_start3A, %dma_start3A_35] : memref<256x128xf32, #tpu.memory_space<vmem>> -> memref<128x128xf32, #tpu.memory_space<vmem>>
    %dma_start3A_37 = arith.constant 0 : i32
    %dma_start3A_38 = tpu.memref_slice %arg5[%dma_start3A_37] : memref<256xi32, #tpu.memory_space<vmem>> -> memref<128xi32, #tpu.memory_space<vmem>>
    %dma_start3A_39 = arith.constant 0 : i32
    %dma_start3A_40 = arith.constant 0 : i32
    %dma_start3A_41 = tpu.memref_slice %arg2[%dma_start3A_39, %dma_start3A_40] : memref<100000x128xf32, #tpu.memory_space<hbm>> -> memref<100000x128xf32, #tpu.memory_space<hbm>>
    tpu.enqueue_indirect_dma source(%dma_start3A_41 : memref<100000x128xf32, #tpu.memory_space<hbm>>) target(%dma_start3A_36 : memref<128x128xf32, #tpu.memory_space<vmem>>) offsets(%dma_start3A_38 : memref<128xi32, #tpu.memory_space<vmem>>) semaphore(%arg7 : memref<!tpu.dma_semaphore, #tpu.memory_space<semaphore_mem>>)
    %dma_start3A_42 = arith.constant 128 : i32
    %dma_start3A_43 = arith.constant 0 : i32
    %dma_start3A_44 = tpu.memref_slice %arg6[%dma_start3A_42, %dma_start3A_43] : memref<256x128xf32, #tpu.memory_space<vmem>> -> memref<128x128xf32, #tpu.memory_space<vmem>>
    %dma_start3A_45 = arith.constant 128 : i32
    %dma_start3A_46 = tpu.memref_slice %arg5[%dma_start3A_45] : memref<256xi32, #tpu.memory_space<vmem>> -> memref<128xi32, #tpu.memory_space<vmem>>
    %dma_start3A_47 = arith.constant 0 : i32
    %dma_start3A_48 = arith.constant 0 : i32
    %dma_start3A_49 = tpu.memref_slice %arg2[%dma_start3A_47, %dma_start3A_48] : memref<100000x128xf32, #tpu.memory_space<hbm>> -> memref<100000x128xf32, #tpu.memory_space<hbm>>
    tpu.enqueue_indirect_dma source(%dma_start3A_49 : memref<100000x128xf32, #tpu.memory_space<hbm>>) target(%dma_start3A_44 : memref<128x128xf32, #tpu.memory_space<vmem>>) offsets(%dma_start3A_46 : memref<128xi32, #tpu.memory_space<vmem>>) semaphore(%arg8 : memref<!tpu.dma_semaphore, #tpu.memory_space<semaphore_mem>>)
    %dma_wait3A = arith.constant 0 : i32
    %dma_wait3A_50 = arith.constant 0 : i32
    %dma_wait3A_51 = tpu.memref_slice %arg6[%dma_wait3A, %dma_wait3A_50] : memref<256x128xf32, #tpu.memory_space<vmem>> -> memref<128x128xf32, #tpu.memory_space<vmem>>
    %dma_wait3A_52 = arith.constant 0 : i32
    %dma_wait3A_53 = tpu.memref_slice %arg5[%dma_wait3A_52] : memref<256xi32, #tpu.memory_space<vmem>> -> memref<128xi32, #tpu.memory_space<vmem>>
    %dma_wait3A_54 = arith.constant 0 : i32
    %dma_wait3A_55 = arith.constant 0 : i32
    %dma_wait3A_56 = tpu.memref_slice %arg2[%dma_wait3A_54, %dma_wait3A_55] : memref<100000x128xf32, #tpu.memory_space<hbm>> -> memref<100000x128xf32, #tpu.memory_space<hbm>>
    tpu.wait_indirect_dma semaphore(%arg7 : memref<!tpu.dma_semaphore, #tpu.memory_space<semaphore_mem>>) src(%dma_wait3A_56 : memref<100000x128xf32, #tpu.memory_space<hbm>>) dst(%dma_wait3A_51 : memref<128x128xf32, #tpu.memory_space<vmem>>)
    %add3A_57 = arith.constant 0 : i32
    %add3A_58 = arith.addi %mul3A_34, %add3A_57 : i32
    %dma_start3A_59 = arith.constant 0 : i32
    %dma_start3A_60 = arith.constant 0 : i32
    %dma_start3A_61 = tpu.memref_slice %arg6[%dma_start3A_59, %dma_start3A_60] : memref<256x128xf32, #tpu.memory_space<vmem>> -> memref<128x128xf32, #tpu.memory_space<vmem>>
    %dma_start3A_62 = arith.constant 0 : i32
    %dma_start3A_63 = tpu.memref_slice %arg4[%add3A_58, %dma_start3A_62] : memref<8192x128xf32, #tpu.memory_space<hbm>> -> memref<128x128xf32, #tpu.memory_space<hbm>>
    %dma_start3A_64 = arith.constant 0 : i32
    %dma_start3A_65 = tpu.memref_slice %arg4[%add3A_58, %dma_start3A_64] : memref<8192x128xf32, #tpu.memory_space<hbm>> -> memref<128x128xf32, #tpu.memory_space<hbm>>
    %dma_start3A_66 = arith.constant 0 : i32
    %dma_start3A_67 = arith.constant 0 : i32
    %dma_start3A_68 = tpu.memref_slice %arg6[%dma_start3A_66, %dma_start3A_67] : memref<256x128xf32, #tpu.memory_space<vmem>> -> memref<128x128xf32, #tpu.memory_space<vmem>>
    tpu.enqueue_dma source(%dma_start3A_68 : memref<128x128xf32, #tpu.memory_space<vmem>>) target(%dma_start3A_65 : memref<128x128xf32, #tpu.memory_space<hbm>>) target_semaphore(%arg9 : memref<!tpu.dma_semaphore, #tpu.memory_space<semaphore_mem>>)
    %dma_wait3A_69 = arith.constant 128 : i32
    %dma_wait3A_70 = arith.constant 0 : i32
    %dma_wait3A_71 = tpu.memref_slice %arg6[%dma_wait3A_69, %dma_wait3A_70] : memref<256x128xf32, #tpu.memory_space<vmem>> -> memref<128x128xf32, #tpu.memory_space<vmem>>
    %dma_wait3A_72 = arith.constant 128 : i32
    %dma_wait3A_73 = tpu.memref_slice %arg5[%dma_wait3A_72] : memref<256xi32, #tpu.memory_space<vmem>> -> memref<128xi32, #tpu.memory_space<vmem>>
    %dma_wait3A_74 = arith.constant 0 : i32
    %dma_wait3A_75 = arith.constant 0 : i32
    %dma_wait3A_76 = tpu.memref_slice %arg2[%dma_wait3A_74, %dma_wait3A_75] : memref<100000x128xf32, #tpu.memory_space<hbm>> -> memref<100000x128xf32, #tpu.memory_space<hbm>>
    tpu.wait_indirect_dma semaphore(%arg8 : memref<!tpu.dma_semaphore, #tpu.memory_space<semaphore_mem>>) src(%dma_wait3A_76 : memref<100000x128xf32, #tpu.memory_space<hbm>>) dst(%dma_wait3A_71 : memref<128x128xf32, #tpu.memory_space<vmem>>)
    %add3A_77 = arith.constant 128 : i32
    %add3A_78 = arith.addi %mul3A_34, %add3A_77 : i32
    %dma_start3A_79 = arith.constant 128 : i32
    %dma_start3A_80 = arith.constant 0 : i32
    %dma_start3A_81 = tpu.memref_slice %arg6[%dma_start3A_79, %dma_start3A_80] : memref<256x128xf32, #tpu.memory_space<vmem>> -> memref<128x128xf32, #tpu.memory_space<vmem>>
    %dma_start3A_82 = arith.constant 0 : i32
    %dma_start3A_83 = tpu.memref_slice %arg4[%add3A_78, %dma_start3A_82] : memref<8192x128xf32, #tpu.memory_space<hbm>> -> memref<128x128xf32, #tpu.memory_space<hbm>>
    %dma_start3A_84 = arith.constant 0 : i32
    %dma_start3A_85 = tpu.memref_slice %arg4[%add3A_78, %dma_start3A_84] : memref<8192x128xf32, #tpu.memory_space<hbm>> -> memref<128x128xf32, #tpu.memory_space<hbm>>
    %dma_start3A_86 = arith.constant 128 : i32
    %dma_start3A_87 = arith.constant 0 : i32
    %dma_start3A_88 = tpu.memref_slice %arg6[%dma_start3A_86, %dma_start3A_87] : memref<256x128xf32, #tpu.memory_space<vmem>> -> memref<128x128xf32, #tpu.memory_space<vmem>>
    tpu.enqueue_dma source(%dma_start3A_88 : memref<128x128xf32, #tpu.memory_space<vmem>>) target(%dma_start3A_85 : memref<128x128xf32, #tpu.memory_space<hbm>>) target_semaphore(%arg9 : memref<!tpu.dma_semaphore, #tpu.memory_space<semaphore_mem>>)
    %dma_wait3A_89 = arith.constant 0 : i32
    %dma_wait3A_90 = arith.constant 0 : i32
    %dma_wait3A_91 = tpu.memref_slice %arg6[%dma_wait3A_89, %dma_wait3A_90] : memref<256x128xf32, #tpu.memory_space<vmem>> -> memref<128x128xf32, #tpu.memory_space<vmem>>
    %dma_wait3A_92 = arith.constant 0 : i32
    %dma_wait3A_93 = tpu.memref_slice %arg4[%add3A_58, %dma_wait3A_92] : memref<8192x128xf32, #tpu.memory_space<hbm>> -> memref<128x128xf32, #tpu.memory_space<hbm>>
    %dma_wait3A_94 = arith.constant 0 : i32
    %dma_wait3A_95 = tpu.memref_slice %arg4[%add3A_58, %dma_wait3A_94] : memref<8192x128xf32, #tpu.memory_space<hbm>> -> memref<128x128xf32, #tpu.memory_space<hbm>>
    %dma_wait3A_96 = arith.constant 0 : i32
    %dma_wait3A_97 = arith.constant 0 : i32
    %dma_wait3A_98 = tpu.memref_slice %arg6[%dma_wait3A_96, %dma_wait3A_97] : memref<256x128xf32, #tpu.memory_space<vmem>> -> memref<128x128xf32, #tpu.memory_space<vmem>>
    tpu.wait_dma2 semaphore(%arg9 : memref<!tpu.dma_semaphore, #tpu.memory_space<semaphore_mem>>) src(%dma_wait3A_98 : memref<128x128xf32, #tpu.memory_space<vmem>>) dst(%dma_wait3A_95 : memref<128x128xf32, #tpu.memory_space<hbm>>)
    %dma_wait3A_99 = arith.constant 128 : i32
    %dma_wait3A_100 = arith.constant 0 : i32
    %dma_wait3A_101 = tpu.memref_slice %arg6[%dma_wait3A_99, %dma_wait3A_100] : memref<256x128xf32, #tpu.memory_space<vmem>> -> memref<128x128xf32, #tpu.memory_space<vmem>>
    %dma_wait3A_102 = arith.constant 0 : i32
    %dma_wait3A_103 = tpu.memref_slice %arg4[%add3A_78, %dma_wait3A_102] : memref<8192x128xf32, #tpu.memory_space<hbm>> -> memref<128x128xf32, #tpu.memory_space<hbm>>
    %dma_wait3A_104 = arith.constant 0 : i32
    %dma_wait3A_105 = tpu.memref_slice %arg4[%add3A_78, %dma_wait3A_104] : memref<8192x128xf32, #tpu.memory_space<hbm>> -> memref<128x128xf32, #tpu.memory_space<hbm>>
    %dma_wait3A_106 = arith.constant 128 : i32
    %dma_wait3A_107 = arith.constant 0 : i32
    %dma_wait3A_108 = tpu.memref_slice %arg6[%dma_wait3A_106, %dma_wait3A_107] : memref<256x128xf32, #tpu.memory_space<vmem>> -> memref<128x128xf32, #tpu.memory_space<vmem>>
    tpu.wait_dma2 semaphore(%arg9 : memref<!tpu.dma_semaphore, #tpu.memory_space<semaphore_mem>>) src(%dma_wait3A_108 : memref<128x128xf32, #tpu.memory_space<vmem>>) dst(%dma_wait3A_105 : memref<128x128xf32, #tpu.memory_space<hbm>>)
    return
  }
}

module attributes {stable_mosaic.version = 14 : i64} {
  func.func @_mm_body(%arg0: i32, %arg1: memref<2048x128xf32, #tpu.memory_space<vmem>>, %arg2: memref<128x1024xf32, #tpu.memory_space<vmem>>, %arg3: memref<2048x1024xf32, #tpu.memory_space<vmem>>) attributes {dimension_semantics = [#tpu.dimension_semantics<arbitrary>], iteration_bounds = array<i64: 4>, scalar_prefetch = 0 : i64, scratch_operands = 0 : i64, tpu.core_type = #tpu.core_type<tc>, window_params = [{transform_indices = @transform_0, window_bounds = array<i64: 2048, 128>}, {pipeline_mode = #tpu.pipeline_mode<synchronous>, transform_indices = @transform_1, window_bounds = array<i64: 128, 1024>}, {transform_indices = @transform_2, window_bounds = array<i64: 2048, 1024>}]} {
    %get3A = arith.constant 0 : index
    %get3A_0 = arith.constant 0 : index
    %get3A_1 = vector.load %arg1[%get3A, %get3A_0] : memref<2048x128xf32, #tpu.memory_space<vmem>>, vector<2048x128xf32>
    %get3A_2 = arith.constant 0 : index
    %get3A_3 = arith.constant 0 : index
    %get3A_4 = vector.load %arg2[%get3A_2, %get3A_3] : memref<128x1024xf32, #tpu.memory_space<vmem>>, vector<128x1024xf32>
    %dot_general3A = arith.constant dense<0.000000e+00> : vector<2048x1024xf32>
    %dot_general3A_5 = tpu.matmul %get3A_1, %get3A_4, %dot_general3A {dimension_numbers = #tpu.dot_dimension_numbers<[1], [0], [0], [1], [0, 0, 1, 1], [], []>, transpose_lhs_hint = false} : vector<2048x128xf32>, vector<128x1024xf32>, vector<2048x1024xf32> -> vector<2048x1024xf32>
    %swap3A = arith.constant 0 : index
    %swap3A_6 = arith.constant 0 : index
    %swap3A_7 = vector.load %arg3[%swap3A, %swap3A_6] : memref<2048x1024xf32, #tpu.memory_space<vmem>>, vector<2048x1024xf32>
    tpu.vector_store %arg3[%swap3A, %swap3A_6], %dot_general3A_5 {strides = array<i32>} : memref<2048x1024xf32, #tpu.memory_space<vmem>>, vector<2048x1024xf32>,
    return
  }
  func.func @transform_0(%arg0: i32) -> (i32, i32) {
    %c0_i32 = arith.constant 0 : i32
    %c0_i32_0 = arith.constant 0 : i32
    return %arg0, %c0_i32 : i32, i32
  }
  func.func @transform_1(%arg0: i32) -> (i32, i32) {
    %c0_i32 = arith.constant 0 : i32
    %c0_i32_0 = arith.constant 0 : i32
    %c0_i32_1 = arith.constant 0 : i32
    return %c0_i32, %c0_i32_0 : i32, i32
  }
  func.func @transform_2(%arg0: i32) -> (i32, i32) {
    %c0_i32 = arith.constant 0 : i32
    %c0_i32_0 = arith.constant 0 : i32
    return %arg0, %c0_i32 : i32, i32
  }
}

</mosaic_0001>

<sc_bundles>
// kernel: kernel.4.cloned.1.call-start
scs
__scs_entry_jumppad:
0x0: {  	(pc) =	sbr.rel $0x88, $3  }
0x1: {  	(tag) =	ssettag $0x0;
	lr =	simm.s32 $0x1  }
0x2: {  	[smem:$0x3F9E] =	sst lr;
	_ =	strace $0xD0000000  }
0x3: {  	_ = 	snop  }
0x4: {  	_ = 	snop  }
0x5: {  	_ = 	snop  }
0x6: {  	_ = 	snop  }
0x7: {  	_ = 	snop  }
__scs_overlays_trampoline_lowered:
0x8: {  	[smem:$0x3FAD] =	sst s0  }
0x9: {  	[smem:$0x3FAE] =	sst s1  }
0xa: {  	[smem:$0x3FAF] =	sst s2  }
0xb: {  	[smem:$0x3FB0] =	sst s3  }
0xc: {  	[smem:$0x3FB1] =	sst s4  }
0xd: {  	[smem:$0x3FB2] =	sst s5  }
0xe: {  	[smem:$0x3FB3] =	sst s6  }
0xf: {  	[smem:$0x3FB4] =	sst s7  }
0x10: {  	[smem:$0x3FB5] =	sst s8  }
0x11: {  	[smem:$0x3FB6] =	sst s9;
	s0 =	simm.s32 @!p0 $0x0  }
0x12: {  	s1 =	sld [smem:$0x3F9C];
	s0 =	simm.s32 @p0 $0x1  }
0x13: {  	[smem:$0x3FB7] =	sst s0;
	s0 =	simm.s32 @!p1 $0x0  }
0x14: {  	s2 =	sld [smem:$0x3F9B];
	s0 =	simm.s32 @p1 $0x1  }
0x15: {  	[smem:$0x3FB8] =	sst s0;
	s0 =	simm.s32 @!p2 $0x0  }
0x16: {  	s3 =	sld [smem:$0x3FDB];
	s0 =	simm.s32 @p2 $0x1  }
0x17: {  	s4 =	simm.s32 $0x1BF5;
	[smem:$0x3FBA] =	sst s0  }
0x18: {  	s0 =	sld [smem:$0x3F9D];
	_ =	swait.ge [sflag:s4], $0x0  }
0x19: {  	s7 =	sld [smem:$0x3F9E]  }
0x1a: {  	s8 =	sadd.s32 $0xFFFFE003, lr  }
0x1b: {  	s9 =	sadd.s32 $0xFFFFFEF7, lr;
	s5 =	simm.s32 $0xFFFFFFFF;
	p2 =	slt.u32 s8, $0xFFFFF086  }
0x1c: {  	p1 =	slt.u32 s9, $0xF7A;
	s5 =	simm.s32 @!p2 $0x0  }
0x1d: {  	s5 =	simm.s32 @p1 $0x1;
	p0 =	seq.s32 s7, s2  }
0x1e: {  	s7 =	smul.u32 @!p0 $0xF7A, s2;
	p2 =	seq.s32 @!p0 s5, $0x0  }
0x1f: {  	s9 =	smul.u32 $0xF7A, s1;
	s8 =	simm.s32 @!p0 $0x1BF5;
	p2 =	por !p2, p0  }
0x20: {  	[sflag:s8] =	ssyncset.s32 @!p0 $0xFFFFF086;
	s6 =	sadd.s32 @!p0 s3, s7;
	s7 =	simm.s32 @!p0 $0x108  }
0x21: {  	s3 =	sadd.s32 s3, s9;
	s6 =	sadd.s32 @!p0 $0x88, s6;
	s7 =	simm.s32 @p2 $0x1082  }
0x22: {  	[simem:s7], [sflag:s8] =	dma.local @!p0 [hbm:s6], $0xF7A  }
0x23: {  	s9 =	sor.u32 $0xD0000000, s2;
	s6 =	simm.s32 $0x108;
	_ =	swait.ge @!p0 [sflag:s8], $0x0  }
0x24: {  	s3 =	sadd.s32 $0x88, s3;
	s6 =	simm.s32 @!p1 $0x1082;
	[sflag:s4] =	ssyncset.s32 $0xFFFFF086  }
0x25: {  	[simem:s6], [sflag:s4] =	dma.local [hbm:s3], $0xF7A  }
0x26: {  	[smem:$0x3F9E] =	sst s1;
	(tag) =	ssettag s2;
	_ =	strace s9  }
0x27: {  	s1 =	sld [smem:$0x3FAE]  }
0x28: {  	s2 =	sld [smem:$0x3FAF]  }
0x29: {  	s4 =	sld [smem:$0x3FB1]  }
0x2a: {  	p0 =	seq.s32 s5, $0x0;
	s5 =	sld [smem:$0x3FB2]  }
0x2b: {  	s6 =	sld [smem:$0x3FB3]  }
0x2c: {  	s7 =	sld [smem:$0x3FB4]  }
0x2d: {  	s3 =	simm.s32 $0x108;
	s8 =	sld [smem:$0x3FB5]  }
0x2e: {  	s3 =	simm.s32 @!p0 $0x1082;
	s9 =	sld [smem:$0x3FB6]  }
0x2f: {  	lr =	sadd.s32 s0, s3;
	s0 =	sld [smem:$0x3FAD]  }
0x30: {  	s3 =	sld [smem:$0x3FB0]  }
0x31: {  	[smem:$0x3FB9] =	sst s10  }
0x32: {  	s10 =	sld [smem:$0x3FB7];
	_ =	sdelay $0x3  }
0x33: {  	p0 =	seq.s32 s10, $0x1;
	s10 =	sld [smem:$0x3FB9];
	_ =	sdelay $0x3  }
0x34: {  	[smem:$0x3FB9] =	sst s10  }
0x35: {  	s10 =	sld [smem:$0x3FB8];
	_ =	sdelay $0x3  }
0x36: {  	p1 =	seq.s32 s10, $0x1;
	s10 =	sld [smem:$0x3FB9];
	_ =	sdelay $0x3  }
0x37: {  	[smem:$0x3FB9] =	sst s10  }
0x38: {  	s10 =	sld [smem:$0x3FBA]  }
0x39: {  	_ = 	snop;
	(pc) =	sbr.ind lr, $3  }
0x3a: {  	_ = 	snop  }
0x3b: {  	_ = 	snop  }
0x3c: {  	p2 =	seq.s32 s10, $0x1;
	s10 =	sld [smem:$0x3FB9]  }
0x3d: {  	_ =	shalt  }
0x3e: {  	_ =	shalt  }
0x3f: {  	_ =	shalt  }
0x40: {  	_ =	shalt  }
0x41: {  	_ =	shalt  }
0x42: {  	_ =	shalt  }
0x43: {  	_ =	shalt  }
0x44: {  	_ =	shalt  }
0x45: {  	_ =	shalt  }
0x46: {  	_ =	shalt  }
0x47: {  	_ =	shalt  }
0x48: {  	_ =	shalt  }
0x49: {  	_ =	shalt  }
0x4a: {  	_ =	shalt  }
0x4b: {  	_ =	shalt  }
0x4c: {  	_ =	shalt  }
0x4d: {  	_ =	shalt  }
0x4e: {  	_ =	shalt  }
0x4f: {  	_ =	shalt  }
0x50: {  	_ =	shalt  }
0x51: {  	_ =	shalt  }
0x52: {  	_ =	shalt  }
0x53: {  	_ =	shalt  }
0x54: {  	_ =	shalt  }
0x55: {  	_ =	shalt  }
0x56: {  	_ =	shalt  }
0x57: {  	_ =	shalt  }
0x58: {  	_ =	shalt  }
0x59: {  	_ =	shalt  }
0x5a: {  	_ =	shalt  }
0x5b: {  	_ =	shalt  }
0x5c: {  	_ =	shalt  }
0x5d: {  	_ =	shalt  }
0x5e: {  	_ =	shalt  }
0x5f: {  	_ =	shalt  }
0x60: {  	_ =	shalt  }
0x61: {  	_ =	shalt  }
0x62: {  	_ =	shalt  }
0x63: {  	_ =	shalt  }
0x64: {  	_ =	shalt  }
0x65: {  	_ =	shalt  }
0x66: {  	_ =	shalt  }
0x67: {  	_ =	shalt  }
0x68: {  	_ =	shalt  }
0x69: {  	_ =	shalt  }
0x6a: {  	_ =	shalt  }
0x6b: {  	_ =	shalt  }
0x6c: {  	_ =	shalt  }
0x6d: {  	_ =	shalt  }
0x6e: {  	_ =	shalt  }
0x6f: {  	_ =	shalt  }
0x70: {  	_ =	shalt  }
0x71: {  	_ =	shalt  }
0x72: {  	_ =	shalt  }
0x73: {  	_ =	shalt  }
0x74: {  	_ =	shalt  }
0x75: {  	_ =	shalt  }
0x76: {  	_ =	shalt  }
0x77: {  	_ =	shalt  }
0x78: {  	_ =	shalt  }
0x79: {  	_ =	shalt  }
0x7a: {  	_ =	shalt  }
0x7b: {  	_ =	shalt  }
0x7c: {  	_ =	shalt  }
0x7d: {  	_ =	shalt  }
0x7e: {  	_ =	shalt  }
0x7f: {  	_ =	shalt  }
0x80: {  	_ =	shalt  }
0x81: {  	_ =	shalt  }
0x82: {  	_ =	shalt  }
0x83: {  	_ =	shalt  }
0x84: {  	_ =	shalt  }
0x85: {  	_ =	shalt  }
0x86: {  	_ =	shalt  }
0x87: {  	_ =	shalt  }
.Lfunc_end0:
.L_simem_size_0:
called_computation_lowered:
.L_overlay_start_0:
0x88: {  	s2 =	sld [smem:$0x3FD9]  }
0x89: {  	s3 =	sld [smem:$0x3FFE];
	_ =	sdelay $0x1  }
0x8a: {  	s1 =	srdreg.scid  }
0x8b: {  	s0 =	sand.u32 $0x1, s1  }
0x8c: {  	s18 =	sshll.u32 s0, $0xA;
	s2 =	sadd.s32 s3, s2  }
0x8d: {  	s2 =	sadd.s32 s2, s18  }
0x8e: {  	[smem:$0x3FC5] =	sst s2  }
0x8f: {  	_ = 	snop  }
0x90: {  	s2 =	sld [smem:$0x3FC9]  }
0x91: {  	s19 =	sld [smem:$0x3FC8]  }
0x92: {  	s4 =	sld [smem:$0x3FD0];
	(tm) =	ssettm $0x1  }
0x93: {  	s5 =	sld [smem:$0x3FFB];
	_ =	sdelay $0x3  }
0x94: {  	_ =	strace s5  }
0x95: {  	s5 =	sld [smem:$0x3FFC];
	_ =	sdelay $0x3  }
0x96: {  	_ =	strace s5  }
0x97: {  	s5 =	sld [smem:$0x3FFD];
	_ =	sdelay $0x3  }
0x98: {  	_ =	strace s5  }
0x99: {  	_ =	strace $0x8FFFFFFF  }
0x9a: {  	s20 =	sld [smem:$0x3FDB];
	_ =	sdelay $0x1  }
0x9b: {  	s6 =	simm.s32 $_scs_section_size  }
0x9c: {  	s7 =	simm.s32 $_size__tile_overlayer_lowered;
	s8 =	simm.s32 $_tile_overlayer_lowered  }
0x9d: {  	s23 =	simm.s32 $0x1BFF;
	s22 =	sshll.u32 s8, $0x1;
	s5 =	sadd.s32 s6, s20  }
0x9e: {  	s9 =	simm.s32 $0x0;
	s21 =	sshll.u32 s7, $0x1;
	s7 =	sadd.s32 s22, s5  }
0x9f: {  	[timem:s9], [sflag:s23] =	dma.local [hbm:s7], s21  }
0xa0: {  	_ =	swait.ge [sflag:s23], s21  }
0xa1: {  	s6 =	ssub.s32 $0x0, s21;
	[sflag:s23] =	ssyncset.done $0x0  }
0xa2: {  	[sflag:s23] =	ssyncadd.s32 s6;
	_ =	sdelay $0x1  }
0xa3: {  	s24 =	simm.s32 $0x1B8B  }
0xa4: {  	_ =	swait.ge [sflag:s24], $0x1  }
0xa5: {  	[sflag:s24] =	ssyncset.done $0x0  }
0xa6: {  	s25 =	simm.s32 $0x1B8E;
	[sflag:s24] =	ssyncadd.s32 $0xFFFFFFFF  }
0xa7: {  	s26 =	simm.s32 $execute0_lowered;
	[smem:$0x3FD2] =	sst s25  }
0xa8: {  	s6 =	sshll.u32 s26, $0x1;
	_ =	strace $0x80000046;
	[dreg:$0x1] =	wrdreg $0xFFFFFFFF  }
0xa9: {  	s28 =	simm.s32 $_size_execute0_lowered;
	s5 =	sadd.s32 s5, s6;
	[dreg:$0x0] =	wrdreg $0x0  }
0xaa: {  	s6 =	sshll.u32 s28, $0x1;
	[dreg:$0x2] =	wrdreg s5  }
0xab: {  	[dreg:$0x3] =	wrdreg s6  }
0xac: {  	[dreg:$0x4] =	wrdreg $0xC0  }
0xad: {  	_ =	task [dreg:s9], $0x5FFFF  }
0xae: {  	[dreg:$0x1] =	wrdreg $0xFFFFFFFF  }
0xaf: {  	[dreg:$0x0] =	wrdreg $0x60  }
0xb0: {  	[dreg:$0x2] =	wrdreg s19  }
0xb1: {  	[dreg:$0x3] =	wrdreg s2  }
0xb2: {  	[dreg:$0x4] =	wrdreg s4  }
0xb3: {  	[dreg:$0x5] =	wrdreg $0x9  }
0xb4: {  	_ =	task.clear_ibuf [dreg:s9], $0x6FFFF;
	_ =	strace $0x90000046  }
0xb5: {  	s29 =	simm.s32 $0x9;
	_ =	strace $0x80000048  }
0xb6: {  	_ =	swait.ge [sflag:s29], $0x1  }
0xb7: {  	[sflag:s29] =	ssyncadd.s32 $0xFFFFFFFF  }
0xb8: {  	_ =	strace $0x90000048  }
0xb9: {  	_ =	sfence  }
0xba: {  	s30 =	sld [smem:$0x0];
	_ =	sdelay $0x2  }
0xbb: {  	s31 =	sshll.u32 s1, $0xD;
	s1 =	sshrl.u32 s1, $0x2  }
0xbc: {  	s3 =	sand.u32 $0x4000, s31;
	s1 =	sadd.s32 s1, s30  }
0xbd: {  	s0 =	sor.u32 s3, s0;
	s1 =	sshll.u32 s1, $0x11  }
0xbe: {  	s0 =	sor.u32 s1, s0  }
0xbf: {  	s0 =	sadd.s32 $0x8F2B, s0  }
0xc0: {  	[sflag:s0] =	ssyncadd.remote.s32 $0x1  }
0xc1: {  	_ =	sfence.sel $0xFFFF  }
0xc2: {  	[dreg:$0x0] =	wrdreg $0xFFFFFFFF;
	(pc) =	sbr.abs _section_cstart, $3  }
0xc3: {  	[dreg:$0x1] =	wrdreg $0xFFFFFFFF  }
0xc4: {  	_ =	task.clear_ibuf [dreg:s9], $0x2FFFF;
	_ =	strace $0x9FFFFFFF  }
0xc5: {  	(tm) =	ssettm $0x7FFFFFFF  }
tec
execute0_lowered:
.L_overlay_start_1:
0x0: {  	(tag) =	ssettag $0x1  }
0x1: {  	s2 =	rddreg [dreg:$0x0]  }
0x2: {  	s4 =	rddreg [dreg:$0x1];
	s1 =	srdreg.scid  }
0x3: {  	s0 =	stileid.u32;
	s11 =	rddreg [dreg:$0x2];
	s7 =	simm.s32 $0x4  }
0x4: {  	s13 =	sand.u32 $0x1, s1;
	s3 =	sshll.u32 s0, $0x1;
	s1 =	rddreg [dreg:$0x3]  }
0x5: {  	s5 =	sshll.u32 s0, $0x2;
	s12 =	sor.u32 s13, s3;
	s3 =	simm.s32 $0x0  }
0x6: {  	s5 =	sand.u32 $0x30, s5;
	s6 =	sshll.u32 s12, $0x7;
	[smem:$0x7FF] =	sst s3  }
0x7: {  	s4 =	sadd.s32 s4, s5;
	s5 =	simm.s32 $0x80;
	s6 =	sand.u32 $0x380, s6  }
0x8: {  	_ =	strace $0x80000047;
	s4 =	sadd.s32 s6, s4;
	s6 =	simm.s32 $0x200  }
0x9: {  	[tilespmem:s3], [sflag:$0x4] =	stream.strided.gather [hbm4b:s4+s5], $0x100, s6, s5, $0x38;
	[tilespmem:$0x8100] =	vst v63  }
0xa: {  	_ =	swait.ge [sflag:s7], $0x100  }
0xb: {  	[sflag:s7] =	ssyncset.done $0x0  }
0xc: {  	s8 =	simm.s32 $0x100;
	[sflag:s7] =	ssyncadd.s32 $0xFFFFFF00  }
0xd: {  	[tilespmem:s8], [sflag:$0x1] =	stream.indirect.gather [hbm4b:s2+s5], $0x80, s3, s5, $0xb8;
	[tilespmem:$0x8100] =	vst v63  }
0xe: {  	s9 =	simm.s32 $0x4100;
	s10 =	simm.s32 $0x1  }
0xf: {  	[tilespmem:s9], [sflag:$0x2] =	stream.indirect.gather [hbm4b:s2+s5], $0x80, s5, s5, $0xb8;
	[tilespmem:$0x8100] =	vst v63  }
0x10: {  	s15 =	ssub.s32 $0x2, s13;
	_ =	swait.ge [sflag:s10], $0x4000  }
0x11: {  	s12 =	sshll.u32 s12, $0xC;
	s16 =	sshrl.u32 s15, $0x1;
	[sflag:s10] =	ssyncset.done $0x0  }
0x12: {  	s11 =	sadd.s32 s11, s12;
	s12 =	simm.s32 $0x2;
	[sflag:s10] =	ssyncadd.s32 $0xFFFFC000  }
0x13: {  	[hbm4b:s11+s3] =	stream.linear.scatter [tilespmem:s8], [sflag:$0x3], $0x4000, $0x38;
	[tilespmem:$0x8100] =	vst v63  }
0x14: {  	s15 =	ssub.s32 s15, s16;
	_ =	swait.ge [sflag:s12], $0x4000  }
0x15: {  	s13 =	simm.s32 $0x3;
	s15 =	smax.u32 s15, $0x1;
	[sflag:s12] =	ssyncset.done $0x0  }
0x16: {  	s14 =	sadd.s32 $0x800, s11;
	p0 =	sne.s32 s15, $0x1;
	[sflag:s12] =	ssyncadd.s32 $0xFFFFC000  }
0x17: {  	[hbm4b:s14+s3] =	stream.linear.scatter [tilespmem:s9], [sflag:$0x3], $0x4000, $0x38;
	[tilespmem:$0x8100] =	vst v63  }
.Ltmp0:
0x18: {  	_ =	swait.ge [sflag:s13], $0x4000;
	(pc) =	sbr.rel @!p0 .LBB2_2-.Ltmp0, $4  }
0x19: {  	[sflag:s13] =	ssyncset.done $0x0  }
0x1a: {  	[sflag:s13] =	ssyncadd.s32 $0xFFFFC000  }
0x1b: {  	_ =	swait.ge [sflag:s13], $0x4000  }
0x1c: {  	s15 =	sadd.s32 $0xFFFFFFFF, s15;
	[sflag:s13] =	ssyncset.done $0x0  }
.LBB2_1:
0x1d: {  	p0 =	sne.s32 s15, $0x1;
	s15 =	sadd.s32 $0xFFFFFFFF, s15;
	[sflag:s13] =	ssyncadd.s32 $0xFFFFC000  }
0x1e: {  	[tilespmem:s3], [sflag:$0x4] =	stream.strided.gather [hbm4b:s4+s5], $0x100, s6, s5, $0x38;
	[tilespmem:$0x8100] =	vst v63  }
0x1f: {  	_ =	swait.ge [sflag:s7], $0x100  }
0x20: {  	[sflag:s7] =	ssyncset.done $0x0  }
0x21: {  	[sflag:s7] =	ssyncadd.s32 $0xFFFFFF00  }
0x22: {  	[tilespmem:s8], [sflag:$0x1] =	stream.indirect.gather [hbm4b:s2+s5], $0x80, s3, s5, $0xb8;
	[tilespmem:$0x8100] =	vst v63  }
0x23: {  	_ = 	snop  }
0x24: {  	[tilespmem:s9], [sflag:$0x2] =	stream.indirect.gather [hbm4b:s2+s5], $0x80, s5, s5, $0xb8;
	[tilespmem:$0x8100] =	vst v63  }
0x25: {  	_ =	swait.ge [sflag:s10], $0x4000  }
0x26: {  	[sflag:s10] =	ssyncset.done $0x0  }
0x27: {  	[sflag:s10] =	ssyncadd.s32 $0xFFFFC000  }
0x28: {  	[hbm4b:s11+s3] =	stream.linear.scatter [tilespmem:s8], [sflag:$0x3], $0x4000, $0x38;
	[tilespmem:$0x8100] =	vst v63  }
0x29: {  	_ =	swait.ge [sflag:s12], $0x4000  }
0x2a: {  	[sflag:s12] =	ssyncset.done $0x0  }
0x2b: {  	[sflag:s12] =	ssyncadd.s32 $0xFFFFC000  }
0x2c: {  	[hbm4b:s14+s3] =	stream.linear.scatter [tilespmem:s9], [sflag:$0x3], $0x4000, $0x38;
	[tilespmem:$0x8100] =	vst v63  }
.Ltmp1:
0x2d: {  	_ =	swait.ge [sflag:s13], $0x4000;
	(pc) =	sbr.rel @p0 .LBB2_1-.Ltmp1, $4  }
0x2e: {  	[sflag:s13] =	ssyncset.done $0x0  }
0x2f: {  	[sflag:s13] =	ssyncadd.s32 $0xFFFFC000  }
0x30: {  	_ =	swait.ge [sflag:s13], $0x4000  }
0x31: {  	[sflag:s13] =	ssyncset.done $0x0  }
.LBB2_2:
0x32: {  	[sflag:s13] =	ssyncadd.s32 $0xFFFFC000  }
0x33: {  	_ =	sfence.sel $0x180000  }
0x34: {  	[bflag:$0x0] =	sbarrier.arrive $0xFFFF  }
0x35: {  	p0 =	sne.s32 s0, $0x0;
	_ =	strace $0x90000047  }
0x36: {  	s0 =	sadd.s32 @!p0 $0x100000, s1;
	[bflag:$0x2] =	sbarrier.arrive $0xFFFF  }
0x37: {  	[sflag:s0] =	ssyncadd.tile.s32 @!p0 $0x1;
	_ =	shalt  }
.Lfunc_end2:
_tile_overlayer_lowered:
.L_overlay_start_2:
0x38: {  	(tag) =	ssettag $0x2  }
0x39: {  	s0 =	rddreg [dreg:$0x0];
	s2 =	stileid.u32  }
0x3a: {  	s1 =	rddreg [dreg:$0x1];
	p0 =	sne.s32 s2, $0x0  }
0x3b: {  	s3 =	rddreg [dreg:$0x2];
	[bflag:$0x3] =	sbarrier.arrive $0xFFFF;
	s2 =	simm.s32 @!p0 $0x1C04  }
0x3c: {  	[timem:s3], [sflag:s2] =	dma.local @!p0 [hbm:s0], s1  }
0x3d: {  	s0 =	simm.s32 @!p0 $0x4  }
0x3e: {  	_ =	swait.ge @!p0 [sflag:s0], s1  }
0x3f: {  	s1 =	ssub.s32 @!p0 $0x0, s1;
	[sflag:s0] =	ssyncset.done @!p0 $0x0  }
0x40: {  	[sflag:s0] =	ssyncadd.s32 @!p0 s1  }
0x41: {  	[bflag:$0x3] =	sbarrier.arrive $0xFFFF  }
0x42: {  	_ =	shalt  }

</sc_bundles>
